<compile_context>
chip_gen: v7x
topology: tpu7x:2x2x1
jax: 0.10.2.dev20260603
libtpu: 0.0.44.dev20260713+nightly
codegen_flags: <defaults>
</compile_context>

<pallas_src>
import functools

import jax
import jax.numpy as jnp
from jax import lax
from jax.experimental import pallas as pl
from jax.experimental.pallas import tpu as pltpu
from jax.experimental.pallas import tpu_sc as plsc

B = 16384
NS = 26
EMB = 16
ND = 13
H = 1024
DEMB = NS * EMB
VOCAB = 1000000

TOT = B * NS
RPS = 128
NROWS = TOT // RPS
NW = 32
SPW = NROWS // NW
WCHUNK = VOCAB // 8


def _sc_gather(idx2d, deep_table, wide_flat):
    info = plsc.get_sparse_core_info()
    nc = info.num_cores
    mesh = plsc.VectorSubcoreMesh(core_axis_name="c", subcore_axis_name="s")

    @functools.partial(
        pl.kernel,
        mesh=mesh,
        compiler_params=pltpu.CompilerParams(use_tc_tiling_on_sc=False),
        out_type=[
            jax.ShapeDtypeStruct((TOT, EMB), jnp.float32),
            jax.ShapeDtypeStruct((TOT,), jnp.float32),
        ],
        scratch_types=[
            pltpu.VMEM((SPW, RPS), jnp.int32),
            pltpu.VMEM((RPS, EMB), jnp.float32),
            pltpu.VMEM((RPS,), jnp.float32),
            pltpu.VMEM_SHARED((VOCAB,), jnp.float32),
            pltpu.SemaphoreType.DMA,
            pltpu.SemaphoreType.DMA,
        ],
    )
    def k(idx_hbm, deep_hbm, wide_hbm, emb_out, wide_out,
          idx_v, rows_v, wrow_v, wide_sp, sem1, sem2):
        sid = lax.axis_index("s")
        wid = sid * nc + lax.axis_index("c")

        @pl.when(sid < 8)
        def _():
            pltpu.sync_copy(wide_hbm.at[pl.ds(sid * WCHUNK, WCHUNK)],
                            wide_sp.at[pl.ds(sid * WCHUNK, WCHUNK)])

        plsc.subcore_barrier()

        pltpu.sync_copy(idx_hbm.at[pl.ds(wid * SPW, SPW), :], idx_v)

        def body(r, carry):
            g = (wid * SPW + r) * RPS
            c1 = pltpu.async_copy(deep_hbm.at[idx_v.at[r]], rows_v, sem1)
            c2 = pltpu.async_copy(wide_sp.at[idx_v.at[r]], wrow_v, sem2)
            c1.wait()
            c2.wait()
            pltpu.sync_copy(rows_v, emb_out.at[pl.ds(g, RPS), :])
            pltpu.sync_copy(wrow_v, wide_out.at[pl.ds(g, RPS)])
            return carry

        lax.fori_loop(0, SPW, body, 0)

    return k(idx2d, deep_table, wide_flat)


def _tc_mlp(xemb, dense, wide, w1e, w1d, b1, w2, b2, w3, b3, bb=1024):
    grid = B // bb

    def body(x_ref, d_ref, wv_ref, w1e_ref, w1d_ref, b1_ref, w2_ref,
             b2_ref, w3_ref, b3_ref, o_ref):
        x = x_ref[...].astype(jnp.bfloat16)
        d = d_ref[...].astype(jnp.bfloat16)
        h1 = lax.dot_general(x, w1e_ref[...], (((1,), (0,)), ((), ())),
                             preferred_element_type=jnp.float32)
        h1 = h1 + lax.dot_general(d, w1d_ref[...], (((1,), (0,)), ((), ())),
                                  preferred_element_type=jnp.float32)
        h1 = jnp.maximum(h1 + b1_ref[...], 0.0).astype(jnp.bfloat16)
        h2 = lax.dot_general(h1, w2_ref[...], (((1,), (0,)), ((), ())),
                             preferred_element_type=jnp.float32)
        h2 = jnp.maximum(h2 + b2_ref[...], 0.0)
        fc3 = jnp.sum(h2 * w3_ref[...], axis=1, keepdims=True)
        ws = jnp.sum(wv_ref[...], axis=1, keepdims=True)
        o_ref[...] = fc3 + ws + b3_ref[...]

    return pl.pallas_call(
        body,
        grid=(grid,),
        in_specs=[
            pl.BlockSpec((bb, DEMB), lambda i: (i, 0)),
            pl.BlockSpec((bb, ND), lambda i: (i, 0)),
            pl.BlockSpec((bb, NS), lambda i: (i, 0)),
            pl.BlockSpec((DEMB, H), lambda i: (0, 0)),
            pl.BlockSpec((ND, H), lambda i: (0, 0)),
            pl.BlockSpec((1, H), lambda i: (0, 0)),
            pl.BlockSpec((H, H), lambda i: (0, 0)),
            pl.BlockSpec((1, H), lambda i: (0, 0)),
            pl.BlockSpec((1, H), lambda i: (0, 0)),
            pl.BlockSpec((1, 1), lambda i: (0, 0)),
        ],
        out_specs=pl.BlockSpec((bb, 1), lambda i: (i, 0)),
        out_shape=jax.ShapeDtypeStruct((B, 1), jnp.float32),
    )(xemb, dense, wide, w1e, w1d, b1, w2, b2, w3, b3)


def kernel(dense_features, sparse_features, deep_table, wide_table,
           W1, b1, W2, b2, W3, b3):
    idx_all = jnp.asarray(sparse_features, jnp.int32).reshape(-1)
    idx2d = idx_all.reshape(NROWS, RPS)
    wide_flat = wide_table.reshape(-1)
    emb_flat, wide_vals = _sc_gather(idx2d, deep_table, wide_flat)
    xemb = emb_flat.reshape(B, DEMB)
    widev = wide_vals.reshape(B, NS)

    w1e = W1[:, :DEMB].T.astype(jnp.bfloat16)
    w1d = W1[:, DEMB:].T.astype(jnp.bfloat16)
    w2 = W2.T.astype(jnp.bfloat16)
    w3 = W3.reshape(1, H)
    b1r = b1.reshape(1, H)
    b2r = b2.reshape(1, H)
    b3r = b3.reshape(1, 1)

    return _tc_mlp(xemb, dense_features, widev, w1e, w1d, b1r, w2,
                   b2r, w3, b3r)

# --- scband reference (transcript-rebuilt; emitter-appended) ---
"""Pipeline reference for scband-wdl-huge-ctr-89318139887895 (READ-ONLY COPY).

The authoritative reference and input builder live on the scoring server;
editing this copy changes nothing except your own understanding.
"""

import jax, jax.numpy as jnp
import numpy as np

B = 16384
VOCAB = 1000000
EMBED = 16
N_SPARSE = 26
N_DENSE = 13
H = 1024


def setup_inputs(seed: int = 0) -> dict:
    key = jax.random.key(seed)
    ks = jax.random.split(key, 12)
    dense_features = jax.random.normal(ks[0], (B, N_DENSE), dtype=jnp.float32)
    sparse_features = jax.random.randint(ks[1], (B, N_SPARSE), 0, VOCAB, dtype=jnp.int64)
    # learned parameters
    deep_table = jax.random.normal(ks[2], (VOCAB, EMBED), dtype=jnp.float32) * 0.01
    wide_table = jax.random.normal(ks[3], (VOCAB, 1), dtype=jnp.float32) * 0.01
    in1 = N_DENSE + N_SPARSE * EMBED  # 13 + 26*16 = 429
    W1 = jax.random.normal(ks[4], (H, in1), dtype=jnp.float32) * (1.0 / np.sqrt(in1))
    b1 = jnp.zeros((H,), dtype=jnp.float32)
    W2 = jax.random.normal(ks[5], (H, H), dtype=jnp.float32) * (1.0 / np.sqrt(H))
    b2 = jnp.zeros((H,), dtype=jnp.float32)
    W3 = jax.random.normal(ks[6], (1, H), dtype=jnp.float32) * (1.0 / np.sqrt(H))
    b3 = jnp.zeros((1,), dtype=jnp.float32)
    return {
        'dense_features': dense_features,
        'sparse_features': sparse_features,
        'deep_table': deep_table,
        'wide_table': wide_table,
        'W1': W1, 'b1': b1,
        'W2': W2, 'b2': b2,
        'W3': W3, 'b3': b3,
    }


def reference(dense_features, sparse_features, deep_table, wide_table, W1, b1, W2, b2, W3, b3):
    # Wide part: dim-1 embedding per sparse field, summed over fields -> [B, 1]
    wide_embeddings = jnp.take(wide_table, sparse_features, axis=0)  # [B, 26, 1]
    wide_result = jnp.sum(wide_embeddings, axis=1)                   # [B, 1]
    # Deep part: embedding lookup + flatten
    emb = jnp.take(deep_table, sparse_features, axis=0)              # [B, 26, 16]
    reshape1_res = emb.reshape(emb.shape[0], -1)                     # [B, 416]
    concat1_res = jnp.concatenate([reshape1_res, dense_features], axis=1)  # [B, 429]
    fc1res = jax.nn.relu(concat1_res @ W1.T + b1)
    # dropout in eval mode == identity
    fc2res = jax.nn.relu(fc1res @ W2.T + b2)
    fc3_res = fc2res @ W3.T + b3                                     # [B, 1]
    add1 = wide_result + fc3_res
    return add1

if __name__ == "__main__":
    import jax
    _d = setup_inputs()
    print(jax.jit(kernel)(*tuple(_d.values())))

</pallas_src>

<mosaic_0001>
#map = affine_map<(d0, d1) -> (0, 0)>
#map1 = affine_map<(d0, d1) -> (0)>
module attributes {stable_mosaic.version = 14 : i64} {
  func.func @k(%arg0: i32, %arg1: i32, %arg2: memref<3328x128xi32, #tpu.memory_space<hbm>>, %arg3: memref<1000000x16xf32, #tpu.memory_space<hbm>>, %arg4: memref<1000000xf32, #tpu.memory_space<hbm>>, %arg5: memref<425984x16xf32, #tpu.memory_space<hbm>>, %arg6: memref<425984xf32, #tpu.memory_space<hbm>>, %arg7: memref<104x128xi32, #tpu.memory_space<vmem>>, %arg8: memref<128x16xf32, #tpu.memory_space<vmem>>, %arg9: memref<128xf32, #tpu.memory_space<vmem>>, %arg10: memref<1000000xf32, #tpu.memory_space<vmem_shared>>, %arg11: memref<!tpu.dma_semaphore, #tpu.memory_space<semaphore_mem>>, %arg12: memref<!tpu.dma_semaphore, #tpu.memory_space<semaphore_mem>>) attributes {dimension_semantics = [#tpu.dimension_semantics<core_parallel>, #tpu.dimension_semantics<subcore_parallel>], iteration_bounds = array<i64: 2, 16>, scalar_prefetch = 0 : i64, scratch_operands = 6 : i64, tpu.core_type = #tpu.core_type<sc_vector_subcore>, window_params = [{transform_indices = #map}, {transform_indices = #map}, {transform_indices = #map1}, {transform_indices = #map}, {transform_indices = #map1}]} {
    %mul3A = arith.constant 2 : i32
    %mul3A_0 = arith.muli %arg1, %mul3A : i32
    %add3A = arith.addi %mul3A_0, %arg0 : i32
    %lt3A = arith.constant 8 : i32
    %lt3A_1 = arith.cmpi slt, %arg1, %lt3A : i32
    %convert_element_type3A = arith.extui %lt3A_1 : i1 to i32
    %cond3A = arith.constant 0 : i32
    %cond3A_2 = arith.cmpi ne, %convert_element_type3A, %cond3A : i32
    scf.if %cond3A_2 {
      %mul3A_10 = arith.constant 125000 : i32
      %mul3A_11 = arith.muli %arg1, %mul3A_10 : i32
      %mul3A_12 = arith.constant 125000 : i32
      %mul3A_13 = arith.muli %arg1, %mul3A_12 : i32
      "tpu.region"() ({
        %run_scoped3A = tpu.sem_alloc : memref<!tpu.dma_semaphore, #tpu.memory_space<semaphore_mem>>
        %dma_start3A = tpu.memref_slice %arg10[%mul3A_13] : memref<1000000xf32, #tpu.memory_space<vmem_shared>> -> memref<125000xf32, #tpu.memory_space<vmem_shared>>
        %dma_start3A_14 = tpu.memref_slice %arg4[%mul3A_11] : memref<1000000xf32, #tpu.memory_space<hbm>> -> memref<125000xf32, #tpu.memory_space<hbm>>
        tpu.enqueue_dma source(%dma_start3A_14 : memref<125000xf32, #tpu.memory_space<hbm>>) target(%dma_start3A : memref<125000xf32, #tpu.memory_space<vmem_shared>>) target_semaphore(%run_scoped3A : memref<!tpu.dma_semaphore, #tpu.memory_space<semaphore_mem>>)
        %dma_wait3A = tpu.memref_slice %arg10[%mul3A_13] : memref<1000000xf32, #tpu.memory_space<vmem_shared>> -> memref<125000xf32, #tpu.memory_space<vmem_shared>>
        %dma_wait3A_15 = tpu.memref_slice %arg4[%mul3A_11] : memref<1000000xf32, #tpu.memory_space<hbm>> -> memref<125000xf32, #tpu.memory_space<hbm>>
        tpu.wait_dma2 semaphore(%run_scoped3A : memref<!tpu.dma_semaphore, #tpu.memory_space<semaphore_mem>>) src(%dma_wait3A_15 : memref<125000xf32, #tpu.memory_space<hbm>>) dst(%dma_wait3A : memref<125000xf32, #tpu.memory_space<vmem_shared>>)
        tpu.yield
      }) : () -> ()
    } else {
    }
    %barrier3A = arith.constant 0 : index
    tpu.barrier barrier_id(%barrier3A)
    %mul3A_3 = arith.constant 104 : i32
    %mul3A_4 = arith.muli %add3A, %mul3A_3 : i32
    "tpu.region"() ({
      %run_scoped3A = tpu.sem_alloc : memref<!tpu.dma_semaphore, #tpu.memory_space<semaphore_mem>>
      %dma_start3A = arith.constant 0 : i32
      %dma_start3A_10 = tpu.memref_slice %arg2[%mul3A_4, %dma_start3A] : memref<3328x128xi32, #tpu.memory_space<hbm>> -> memref<104x128xi32, #tpu.memory_space<hbm>>
      %dma_start3A_11 = arith.constant 0 : i32
      %dma_start3A_12 = tpu.memref_slice %arg2[%mul3A_4, %dma_start3A_11] : memref<3328x128xi32, #tpu.memory_space<hbm>> -> memref<104x128xi32, #tpu.memory_space<hbm>>
      tpu.enqueue_dma source(%dma_start3A_12 : memref<104x128xi32, #tpu.memory_space<hbm>>) target(%arg7 : memref<104x128xi32, #tpu.memory_space<vmem>>) target_semaphore(%run_scoped3A : memref<!tpu.dma_semaphore, #tpu.memory_space<semaphore_mem>>)
      %dma_wait3A = arith.constant 0 : i32
      %dma_wait3A_13 = tpu.memref_slice %arg2[%mul3A_4, %dma_wait3A] : memref<3328x128xi32, #tpu.memory_space<hbm>> -> memref<104x128xi32, #tpu.memory_space<hbm>>
      %dma_wait3A_14 = arith.constant 0 : i32
      %dma_wait3A_15 = tpu.memref_slice %arg2[%mul3A_4, %dma_wait3A_14] : memref<3328x128xi32, #tpu.memory_space<hbm>> -> memref<104x128xi32, #tpu.memory_space<hbm>>
      tpu.wait_dma2 semaphore(%run_scoped3A : memref<!tpu.dma_semaphore, #tpu.memory_space<semaphore_mem>>) src(%dma_wait3A_15 : memref<104x128xi32, #tpu.memory_space<hbm>>) dst(%arg7 : memref<104x128xi32, #tpu.memory_space<vmem>>)
      tpu.yield
    }) : () -> ()
    %scan3A = arith.constant 0 : i32
    %scan3A_5 = arith.constant 0 : i32
    %scan3A_6 = arith.constant 104 : i32
    %scan3A_7 = arith.addi %scan3A_5, %scan3A_6 : i32
    %scan3A_8 = arith.constant 1 : i32
    scf.for %scan3A_10 = %scan3A_5 to %scan3A_7 step %scan3A_8  : i32 {
      %mul3A_11 = arith.constant 104 : i32
      %mul3A_12 = arith.muli %add3A, %mul3A_11 : i32
      %add3A_13 = arith.addi %mul3A_12, %scan3A_10 : i32
      %mul3A_14 = arith.constant 128 : i32
      %mul3A_15 = arith.muli %add3A_13, %mul3A_14 : i32
      %dma_start3A = arith.constant 0 : i32
      %dma_start3A_16 = tpu.memref_slice %arg7[%scan3A_10, %dma_start3A] : memref<104x128xi32, #tpu.memory_space<vmem>> -> memref<1x128xi32, #tpu.memory_space<vmem>>
      %dma_start3A_17 = tpu.memref_squeeze %dma_start3A_16 : memref<1x128xi32, #tpu.memory_space<vmem>> -> memref<128xi32, #tpu.memory_space<vmem>>
      %dma_start3A_18 = arith.constant 0 : i32
      %dma_start3A_19 = arith.constant 0 : i32
      %dma_start3A_20 = tpu.memref_slice %arg3[%dma_start3A_18, %dma_start3A_19] : memref<1000000x16xf32, #tpu.memory_space<hbm>> -> memref<1000000x16xf32, #tpu.memory_space<hbm>>
      tpu.enqueue_indirect_dma source(%dma_start3A_20 : memref<1000000x16xf32, #tpu.memory_space<hbm>>) target(%arg8 : memref<128x16xf32, #tpu.memory_space<vmem>>) offsets(%dma_start3A_17 : memref<128xi32, #tpu.memory_space<vmem>>) semaphore(%arg11 : memref<!tpu.dma_semaphore, #tpu.memory_space<semaphore_mem>>)
      %dma_start3A_21 = arith.constant 0 : i32
      %dma_start3A_22 = tpu.memref_slice %arg7[%scan3A_10, %dma_start3A_21] : memref<104x128xi32, #tpu.memory_space<vmem>> -> memref<1x128xi32, #tpu.memory_space<vmem>>
      %dma_start3A_23 = tpu.memref_squeeze %dma_start3A_22 : memref<1x128xi32, #tpu.memory_space<vmem>> -> memref<128xi32, #tpu.memory_space<vmem>>
      %dma_start3A_24 = arith.constant 0 : i32
      %dma_start3A_25 = tpu.memref_slice %arg10[%dma_start3A_24] : memref<1000000xf32, #tpu.memory_space<vmem_shared>> -> memref<1000000xf32, #tpu.memory_space<vmem_shared>>
      tpu.enqueue_indirect_dma source(%dma_start3A_25 : memref<1000000xf32, #tpu.memory_space<vmem_shared>>) target(%arg9 : memref<128xf32, #tpu.memory_space<vmem>>) offsets(%dma_start3A_23 : memref<128xi32, #tpu.memory_space<vmem>>) semaphore(%arg12 : memref<!tpu.dma_semaphore, #tpu.memory_space<semaphore_mem>>)
      %dma_wait3A = arith.constant 0 : i32
      %dma_wait3A_26 = tpu.memref_slice %arg7[%scan3A_10, %dma_wait3A] : memref<104x128xi32, #tpu.memory_space<vmem>> -> memref<1x128xi32, #tpu.memory_space<vmem>>
      %dma_wait3A_27 = tpu.memref_squeeze %dma_wait3A_26 : memref<1x128xi32, #tpu.memory_space<vmem>> -> memref<128xi32, #tpu.memory_space<vmem>>
      %dma_wait3A_28 = arith.constant 0 : i32
      %dma_wait3A_29 = arith.constant 0 : i32
      %dma_wait3A_30 = tpu.memref_slice %arg3[%dma_wait3A_28, %dma_wait3A_29] : memref<1000000x16xf32, #tpu.memory_space<hbm>> -> memref<1000000x16xf32, #tpu.memory_space<hbm>>
      tpu.wait_indirect_dma semaphore(%arg11 : memref<!tpu.dma_semaphore, #tpu.memory_space<semaphore_mem>>) src(%dma_wait3A_30 : memref<1000000x16xf32, #tpu.memory_space<hbm>>) dst(%arg8 : memref<128x16xf32, #tpu.memory_space<vmem>>)
      %dma_wait3A_31 = arith.constant 0 : i32
      %dma_wait3A_32 = tpu.memref_slice %arg7[%scan3A_10, %dma_wait3A_31] : memref<104x128xi32, #tpu.memory_space<vmem>> -> memref<1x128xi32, #tpu.memory_space<vmem>>
      %dma_wait3A_33 = tpu.memref_squeeze %dma_wait3A_32 : memref<1x128xi32, #tpu.memory_space<vmem>> -> memref<128xi32, #tpu.memory_space<vmem>>
      %dma_wait3A_34 = arith.constant 0 : i32
      %dma_wait3A_35 = tpu.memref_slice %arg10[%dma_wait3A_34] : memref<1000000xf32, #tpu.memory_space<vmem_shared>> -> memref<1000000xf32, #tpu.memory_space<vmem_shared>>
      tpu.wait_indirect_dma semaphore(%arg12 : memref<!tpu.dma_semaphore, #tpu.memory_space<semaphore_mem>>) src(%dma_wait3A_35 : memref<1000000xf32, #tpu.memory_space<vmem_shared>>) dst(%arg9 : memref<128xf32, #tpu.memory_space<vmem>>)
      "tpu.region"() ({
        %run_scoped3A = tpu.sem_alloc : memref<!tpu.dma_semaphore, #tpu.memory_space<semaphore_mem>>
        %dma_start3A_36 = arith.constant 0 : i32
        %dma_start3A_37 = tpu.memref_slice %arg5[%mul3A_15, %dma_start3A_36] : memref<425984x16xf32, #tpu.memory_space<hbm>> -> memref<128x16xf32, #tpu.memory_space<hbm>>
        %dma_start3A_38 = arith.constant 0 : i32
        %dma_start3A_39 = tpu.memref_slice %arg5[%mul3A_15, %dma_start3A_38] : memref<425984x16xf32, #tpu.memory_space<hbm>> -> memref<128x16xf32, #tpu.memory_space<hbm>>
        tpu.enqueue_dma source(%arg8 : memref<128x16xf32, #tpu.memory_space<vmem>>) target(%dma_start3A_39 : memref<128x16xf32, #tpu.memory_space<hbm>>) target_semaphore(%run_scoped3A : memref<!tpu.dma_semaphore, #tpu.memory_space<semaphore_mem>>)
        %dma_wait3A_40 = arith.constant 0 : i32
        %dma_wait3A_41 = tpu.memref_slice %arg5[%mul3A_15, %dma_wait3A_40] : memref<425984x16xf32, #tpu.memory_space<hbm>> -> memref<128x16xf32, #tpu.memory_space<hbm>>
        %dma_wait3A_42 = arith.constant 0 : i32
        %dma_wait3A_43 = tpu.memref_slice %arg5[%mul3A_15, %dma_wait3A_42] : memref<425984x16xf32, #tpu.memory_space<hbm>> -> memref<128x16xf32, #tpu.memory_space<hbm>>
        tpu.wait_dma2 semaphore(%run_scoped3A : memref<!tpu.dma_semaphore, #tpu.memory_space<semaphore_mem>>) src(%arg8 : memref<128x16xf32, #tpu.memory_space<vmem>>) dst(%dma_wait3A_43 : memref<128x16xf32, #tpu.memory_space<hbm>>)
        tpu.yield
      }) : () -> ()
      "tpu.region"() ({
        %run_scoped3A = tpu.sem_alloc : memref<!tpu.dma_semaphore, #tpu.memory_space<semaphore_mem>>
        %dma_start3A_36 = tpu.memref_slice %arg6[%mul3A_15] : memref<425984xf32, #tpu.memory_space<hbm>> -> memref<128xf32, #tpu.memory_space<hbm>>
        %dma_start3A_37 = tpu.memref_slice %arg6[%mul3A_15] : memref<425984xf32, #tpu.memory_space<hbm>> -> memref<128xf32, #tpu.memory_space<hbm>>
        tpu.enqueue_dma source(%arg9 : memref<128xf32, #tpu.memory_space<vmem>>) target(%dma_start3A_37 : memref<128xf32, #tpu.memory_space<hbm>>) target_semaphore(%run_scoped3A : memref<!tpu.dma_semaphore, #tpu.memory_space<semaphore_mem>>)
        %dma_wait3A_38 = tpu.memref_slice %arg6[%mul3A_15] : memref<425984xf32, #tpu.memory_space<hbm>> -> memref<128xf32, #tpu.memory_space<hbm>>
        %dma_wait3A_39 = tpu.memref_slice %arg6[%mul3A_15] : memref<425984xf32, #tpu.memory_space<hbm>> -> memref<128xf32, #tpu.memory_space<hbm>>
        tpu.wait_dma2 semaphore(%run_scoped3A : memref<!tpu.dma_semaphore, #tpu.memory_space<semaphore_mem>>) src(%arg9 : memref<128xf32, #tpu.memory_space<vmem>>) dst(%dma_wait3A_39 : memref<128xf32, #tpu.memory_space<hbm>>)
        tpu.yield
      }) : () -> ()
    }
    %scan3A_9 = arith.constant 104 : i32
    return
  }
}

module attributes {stable_mosaic.version = 14 : i64} {
  func.func @body(%arg0: i32, %arg1: memref<1024x416xf32, #tpu.memory_space<vmem>>, %arg2: memref<1024x13xf32, #tpu.memory_space<vmem>>, %arg3: memref<1024x26xf32, #tpu.memory_space<vmem>>, %arg4: memref<416x1024xbf16, #tpu.memory_space<vmem>>, %arg5: memref<13x1024xbf16, #tpu.memory_space<vmem>>, %arg6: memref<1x1024xf32, #tpu.memory_space<vmem>>, %arg7: memref<1024x1024xbf16, #tpu.memory_space<vmem>>, %arg8: memref<1x1024xf32, #tpu.memory_space<vmem>>, %arg9: memref<1x1024xf32, #tpu.memory_space<vmem>>, %arg10: memref<1x1xf32, #tpu.memory_space<vmem>>, %arg11: memref<1024x1xf32, #tpu.memory_space<vmem>>) attributes {dimension_semantics = [#tpu.dimension_semantics<arbitrary>], iteration_bounds = array<i64: 16>, scalar_prefetch = 0 : i64, scratch_operands = 0 : i64, tpu.core_type = #tpu.core_type<tc>, window_params = [{transform_indices = @transform_0, window_bounds = array<i64: 1024, 416>}, {transform_indices = @transform_1, window_bounds = array<i64: 1024, 13>}, {transform_indices = @transform_2, window_bounds = array<i64: 1024, 26>}, {pipeline_mode = #tpu.pipeline_mode<synchronous>, transform_indices = @transform_3, window_bounds = array<i64: 416, 1024>}, {pipeline_mode = #tpu.pipeline_mode<synchronous>, transform_indices = @transform_4, window_bounds = array<i64: 13, 1024>}, {pipeline_mode = #tpu.pipeline_mode<synchronous>, transform_indices = @transform_5, window_bounds = array<i64: 1, 1024>}, {pipeline_mode = #tpu.pipeline_mode<synchronous>, transform_indices = @transform_6, window_bounds = array<i64: 1024, 1024>}, {pipeline_mode = #tpu.pipeline_mode<synchronous>, transform_indices = @transform_7, window_bounds = array<i64: 1, 1024>}, {pipeline_mode = #tpu.pipeline_mode<synchronous>, transform_indices = @transform_8, window_bounds = array<i64: 1, 1024>}, {pipeline_mode = #tpu.pipeline_mode<synchronous>, transform_indices = @transform_9, window_bounds = array<i64: 1, 1>}, {transform_indices = @transform_10, window_bounds = array<i64: 1024, 1>}]} {
    %get3A = arith.constant 0 : index
    %get3A_0 = arith.constant 0 : index
    %get3A_1 = vector.load %arg1[%get3A, %get3A_0] : memref<1024x416xf32, #tpu.memory_space<vmem>>, vector<1024x416xf32>
    %convert_element_type3A = arith.truncf %get3A_1 : vector<1024x416xf32> to vector<1024x416xbf16>
    %get3A_2 = arith.constant 0 : index
    %get3A_3 = arith.constant 0 : index
    %get3A_4 = vector.load %arg2[%get3A_2, %get3A_3] : memref<1024x13xf32, #tpu.memory_space<vmem>>, vector<1024x13xf32>
    %convert_element_type3A_5 = arith.truncf %get3A_4 : vector<1024x13xf32> to vector<1024x13xbf16>
    %get3A_6 = arith.constant 0 : index
    %get3A_7 = arith.constant 0 : index
    %get3A_8 = vector.load %arg4[%get3A_6, %get3A_7] : memref<416x1024xbf16, #tpu.memory_space<vmem>>, vector<416x1024xbf16>
    %dot_general3A = arith.constant dense<0.000000e+00> : vector<1024x1024xf32>
    %dot_general3A_9 = tpu.matmul %convert_element_type3A, %get3A_8, %dot_general3A {dimension_numbers = #tpu.dot_dimension_numbers<[1], [0], [0], [1], [0, 0, 1, 1], [], []>, transpose_lhs_hint = false} : vector<1024x416xbf16>, vector<416x1024xbf16>, vector<1024x1024xf32> -> vector<1024x1024xf32>
    %get3A_10 = arith.constant 0 : index
    %get3A_11 = arith.constant 0 : index
    %get3A_12 = vector.load %arg5[%get3A_10, %get3A_11] : memref<13x1024xbf16, #tpu.memory_space<vmem>>, vector<13x1024xbf16>
    %dot_general3A_13 = arith.constant dense<0.000000e+00> : vector<1024x1024xf32>
    %dot_general3A_14 = tpu.matmul %convert_element_type3A_5, %get3A_12, %dot_general3A_13 {dimension_numbers = #tpu.dot_dimension_numbers<[1], [0], [0], [1], [0, 0, 1, 1], [], []>, transpose_lhs_hint = false} : vector<1024x13xbf16>, vector<13x1024xbf16>, vector<1024x1024xf32> -> vector<1024x1024xf32>
    %add3A = arith.addf %dot_general3A_9, %dot_general3A_14 : vector<1024x1024xf32>
    %get3A_15 = arith.constant 0 : index
    %get3A_16 = arith.constant 0 : index
    %get3A_17 = vector.load %arg6[%get3A_15, %get3A_16] : memref<1x1024xf32, #tpu.memory_space<vmem>>, vector<1x1024xf32>
    %add3A_18 = vector.broadcast %get3A_17 : vector<1x1024xf32> to vector<1024x1024xf32>
    %add3A_19 = arith.addf %add3A, %add3A_18 : vector<1024x1024xf32>
    %max3A = arith.constant 0.000000e+00 : f32
    %max3A_20 = vector.broadcast %max3A : f32 to vector<1024x1024xf32>
    %max3A_21 = arith.maximumf %add3A_19, %max3A_20 : vector<1024x1024xf32>
    %convert_element_type3A_22 = arith.truncf %max3A_21 : vector<1024x1024xf32> to vector<1024x1024xbf16>
    %get3A_23 = arith.constant 0 : index
    %get3A_24 = arith.constant 0 : index
    %get3A_25 = vector.load %arg7[%get3A_23, %get3A_24] : memref<1024x1024xbf16, #tpu.memory_space<vmem>>, vector<1024x1024xbf16>
    %dot_general3A_26 = arith.constant dense<0.000000e+00> : vector<1024x1024xf32>
    %dot_general3A_27 = tpu.matmul %convert_element_type3A_22, %get3A_25, %dot_general3A_26 {dimension_numbers = #tpu.dot_dimension_numbers<[1], [0], [0], [1], [0, 0, 1, 1], [], []>, transpose_lhs_hint = false} : vector<1024x1024xbf16>, vector<1024x1024xbf16>, vector<1024x1024xf32> -> vector<1024x1024xf32>
    %get3A_28 = arith.constant 0 : index
    %get3A_29 = arith.constant 0 : index
    %get3A_30 = vector.load %arg8[%get3A_28, %get3A_29] : memref<1x1024xf32, #tpu.memory_space<vmem>>, vector<1x1024xf32>
    %add3A_31 = vector.broadcast %get3A_30 : vector<1x1024xf32> to vector<1024x1024xf32>
    %add3A_32 = arith.addf %dot_general3A_27, %add3A_31 : vector<1024x1024xf32>
    %max3A_33 = arith.constant 0.000000e+00 : f32
    %max3A_34 = vector.broadcast %max3A_33 : f32 to vector<1024x1024xf32>
    %max3A_35 = arith.maximumf %add3A_32, %max3A_34 : vector<1024x1024xf32>
    %get3A_36 = arith.constant 0 : index
    %get3A_37 = arith.constant 0 : index
    %get3A_38 = vector.load %arg9[%get3A_36, %get3A_37] : memref<1x1024xf32, #tpu.memory_space<vmem>>, vector<1x1024xf32>
    %mul3A = vector.broadcast %get3A_38 : vector<1x1024xf32> to vector<1024x1024xf32>
    %mul3A_39 = arith.mulf %max3A_35, %mul3A : vector<1024x1024xf32>
    %reduce_sum3A = arith.constant dense<0.000000e+00> : vector<1024xf32>
    %reduce_sum3A_40 = vector.multi_reduction <add>, %mul3A_39, %reduce_sum3A [1] : vector<1024x1024xf32> to vector<1024xf32>
    %broadcast_in_dim3A = vector.shape_cast %reduce_sum3A_40 : vector<1024xf32> to vector<1024x1xf32>
    %get3A_41 = arith.constant 0 : index
    %get3A_42 = arith.constant 0 : index
    %get3A_43 = vector.load %arg3[%get3A_41, %get3A_42] : memref<1024x26xf32, #tpu.memory_space<vmem>>, vector<1024x26xf32>
    %reduce_sum3A_44 = arith.constant dense<0.000000e+00> : vector<1024xf32>
    %reduce_sum3A_45 = vector.multi_reduction <add>, %get3A_43, %reduce_sum3A_44 [1] : vector<1024x26xf32> to vector<1024xf32>
    %broadcast_in_dim3A_46 = vector.shape_cast %reduce_sum3A_45 : vector<1024xf32> to vector<1024x1xf32>
    %add3A_47 = arith.addf %broadcast_in_dim3A, %broadcast_in_dim3A_46 : vector<1024x1xf32>
    %get3A_48 = arith.constant 0 : index
    %get3A_49 = arith.constant 0 : index
    %get3A_50 = vector.load %arg10[%get3A_48, %get3A_49] : memref<1x1xf32, #tpu.memory_space<vmem>>, vector<1x1xf32>
    %add3A_51 = vector.broadcast %get3A_50 : vector<1x1xf32> to vector<1024x1xf32>
    %add3A_52 = arith.addf %add3A_47, %add3A_51 : vector<1024x1xf32>
    %swap3A = arith.constant 0 : index
    %swap3A_53 = arith.constant 0 : index
    %swap3A_54 = vector.load %arg11[%swap3A, %swap3A_53] : memref<1024x1xf32, #tpu.memory_space<vmem>>, vector<1024x1xf32>
    tpu.vector_store %arg11[%swap3A, %swap3A_53], %add3A_52 {strides = array<i32>} : memref<1024x1xf32, #tpu.memory_space<vmem>>, vector<1024x1xf32>,
    return
  }
  func.func @transform_0(%arg0: i32) -> (i32, i32) {
    %c0_i32 = arith.constant 0 : i32
    %c0_i32_0 = arith.constant 0 : i32
    return %arg0, %c0_i32 : i32, i32
  }
  func.func @transform_1(%arg0: i32) -> (i32, i32) {
    %c0_i32 = arith.constant 0 : i32
    %c0_i32_0 = arith.constant 0 : i32
    return %arg0, %c0_i32 : i32, i32
  }
  func.func @transform_2(%arg0: i32) -> (i32, i32) {
    %c0_i32 = arith.constant 0 : i32
    %c0_i32_0 = arith.constant 0 : i32
    return %arg0, %c0_i32 : i32, i32
  }
  func.func @transform_3(%arg0: i32) -> (i32, i32) {
    %c0_i32 = arith.constant 0 : i32
    %c0_i32_0 = arith.constant 0 : i32
    %c0_i32_1 = arith.constant 0 : i32
    return %c0_i32, %c0_i32_0 : i32, i32
  }
  func.func @transform_4(%arg0: i32) -> (i32, i32) {
    %c0_i32 = arith.constant 0 : i32
    %c0_i32_0 = arith.constant 0 : i32
    %c0_i32_1 = arith.constant 0 : i32
    return %c0_i32, %c0_i32_0 : i32, i32
  }
  func.func @transform_5(%arg0: i32) -> (i32, i32) {
    %c0_i32 = arith.constant 0 : i32
    %c0_i32_0 = arith.constant 0 : i32
    %c0_i32_1 = arith.constant 0 : i32
    return %c0_i32, %c0_i32_0 : i32, i32
  }
  func.func @transform_6(%arg0: i32) -> (i32, i32) {
    %c0_i32 = arith.constant 0 : i32
    %c0_i32_0 = arith.constant 0 : i32
    %c0_i32_1 = arith.constant 0 : i32
    return %c0_i32, %c0_i32_0 : i32, i32
  }
  func.func @transform_7(%arg0: i32) -> (i32, i32) {
    %c0_i32 = arith.constant 0 : i32
    %c0_i32_0 = arith.constant 0 : i32
    %c0_i32_1 = arith.constant 0 : i32
    return %c0_i32, %c0_i32_0 : i32, i32
  }
  func.func @transform_8(%arg0: i32) -> (i32, i32) {
    %c0_i32 = arith.constant 0 : i32
    %c0_i32_0 = arith.constant 0 : i32
    %c0_i32_1 = arith.constant 0 : i32
    return %c0_i32, %c0_i32_0 : i32, i32
  }
  func.func @transform_9(%arg0: i32) -> (i32, i32) {
    %c0_i32 = arith.constant 0 : i32
    %c0_i32_0 = arith.constant 0 : i32
    %c0_i32_1 = arith.constant 0 : i32
    return %c0_i32, %c0_i32_0 : i32, i32
  }
  func.func @transform_10(%arg0: i32) -> (i32, i32) {
    %c0_i32 = arith.constant 0 : i32
    %c0_i32_0 = arith.constant 0 : i32
    return %arg0, %c0_i32 : i32, i32
  }
}

</mosaic_0001>

<sc_bundles>
// kernel: kernel.4.cloned.1.call-start
scs
__scs_entry_jumppad:
0x0: {  	(pc) =	sbr.rel $0x88, $3  }
0x1: {  	(tag) =	ssettag $0x0;
	lr =	simm.s32 $0x1  }
0x2: {  	[smem:$0x3F97] =	sst lr;
	_ =	strace $0xD0000000  }
0x3: {  	_ = 	snop  }
0x4: {  	_ = 	snop  }
0x5: {  	_ = 	snop  }
0x6: {  	_ = 	snop  }
0x7: {  	_ = 	snop  }
__scs_overlays_trampoline_lowered:
0x8: {  	[smem:$0x3FA6] =	sst s0  }
0x9: {  	[smem:$0x3FA7] =	sst s1  }
0xa: {  	[smem:$0x3FA8] =	sst s2  }
0xb: {  	[smem:$0x3FA9] =	sst s3  }
0xc: {  	[smem:$0x3FAA] =	sst s4  }
0xd: {  	[smem:$0x3FAB] =	sst s5  }
0xe: {  	[smem:$0x3FAC] =	sst s6  }
0xf: {  	[smem:$0x3FAD] =	sst s7  }
0x10: {  	[smem:$0x3FAE] =	sst s8  }
0x11: {  	[smem:$0x3FAF] =	sst s9;
	s0 =	simm.s32 @!p0 $0x0  }
0x12: {  	s1 =	sld [smem:$0x3F95];
	s0 =	simm.s32 @p0 $0x1  }
0x13: {  	[smem:$0x3FB0] =	sst s0;
	s0 =	simm.s32 @!p1 $0x0  }
0x14: {  	s2 =	sld [smem:$0x3F94];
	s0 =	simm.s32 @p1 $0x1  }
0x15: {  	[smem:$0x3FB1] =	sst s0;
	s0 =	simm.s32 @!p2 $0x0  }
0x16: {  	s3 =	sld [smem:$0x3FDB];
	s0 =	simm.s32 @p2 $0x1  }
0x17: {  	s4 =	simm.s32 $0x1BF5;
	[smem:$0x3FB3] =	sst s0  }
0x18: {  	s0 =	sld [smem:$0x3F96];
	_ =	swait.ge [sflag:s4], $0x0  }
0x19: {  	s7 =	sld [smem:$0x3F97]  }
0x1a: {  	s8 =	sadd.s32 $0xFFFFE003, lr  }
0x1b: {  	s9 =	sadd.s32 $0xFFFFFEF7, lr;
	s5 =	simm.s32 $0xFFFFFFFF;
	p2 =	slt.u32 s8, $0xFFFFF086  }
0x1c: {  	p1 =	slt.u32 s9, $0xF7A;
	s5 =	simm.s32 @!p2 $0x0  }
0x1d: {  	s5 =	simm.s32 @p1 $0x1;
	p0 =	seq.s32 s7, s2  }
0x1e: {  	s7 =	smul.u32 @!p0 $0xF7A, s2;
	p2 =	seq.s32 @!p0 s5, $0x0  }
0x1f: {  	s9 =	smul.u32 $0xF7A, s1;
	s8 =	simm.s32 @!p0 $0x1BF5;
	p2 =	por !p2, p0  }
0x20: {  	[sflag:s8] =	ssyncset.s32 @!p0 $0xFFFFF086;
	s6 =	sadd.s32 @!p0 s3, s7;
	s7 =	simm.s32 @!p0 $0x108  }
0x21: {  	s3 =	sadd.s32 s3, s9;
	s6 =	sadd.s32 @!p0 $0x88, s6;
	s7 =	simm.s32 @p2 $0x1082  }
0x22: {  	[simem:s7], [sflag:s8] =	dma.local @!p0 [hbm:s6], $0xF7A  }
0x23: {  	s9 =	sor.u32 $0xD0000000, s2;
	s6 =	simm.s32 $0x108;
	_ =	swait.ge @!p0 [sflag:s8], $0x0  }
0x24: {  	s3 =	sadd.s32 $0x88, s3;
	s6 =	simm.s32 @!p1 $0x1082;
	[sflag:s4] =	ssyncset.s32 $0xFFFFF086  }
0x25: {  	[simem:s6], [sflag:s4] =	dma.local [hbm:s3], $0xF7A  }
0x26: {  	[smem:$0x3F97] =	sst s1;
	(tag) =	ssettag s2;
	_ =	strace s9  }
0x27: {  	s1 =	sld [smem:$0x3FA7]  }
0x28: {  	s2 =	sld [smem:$0x3FA8]  }
0x29: {  	s4 =	sld [smem:$0x3FAA]  }
0x2a: {  	p0 =	seq.s32 s5, $0x0;
	s5 =	sld [smem:$0x3FAB]  }
0x2b: {  	s6 =	sld [smem:$0x3FAC]  }
0x2c: {  	s7 =	sld [smem:$0x3FAD]  }
0x2d: {  	s3 =	simm.s32 $0x108;
	s8 =	sld [smem:$0x3FAE]  }
0x2e: {  	s3 =	simm.s32 @!p0 $0x1082;
	s9 =	sld [smem:$0x3FAF]  }
0x2f: {  	lr =	sadd.s32 s0, s3;
	s0 =	sld [smem:$0x3FA6]  }
0x30: {  	s3 =	sld [smem:$0x3FA9]  }
0x31: {  	[smem:$0x3FB2] =	sst s10  }
0x32: {  	s10 =	sld [smem:$0x3FB0];
	_ =	sdelay $0x3  }
0x33: {  	p0 =	seq.s32 s10, $0x1;
	s10 =	sld [smem:$0x3FB2];
	_ =	sdelay $0x3  }
0x34: {  	[smem:$0x3FB2] =	sst s10  }
0x35: {  	s10 =	sld [smem:$0x3FB1];
	_ =	sdelay $0x3  }
0x36: {  	p1 =	seq.s32 s10, $0x1;
	s10 =	sld [smem:$0x3FB2];
	_ =	sdelay $0x3  }
0x37: {  	[smem:$0x3FB2] =	sst s10  }
0x38: {  	s10 =	sld [smem:$0x3FB3]  }
0x39: {  	_ = 	snop;
	(pc) =	sbr.ind lr, $3  }
0x3a: {  	_ = 	snop  }
0x3b: {  	_ = 	snop  }
0x3c: {  	p2 =	seq.s32 s10, $0x1;
	s10 =	sld [smem:$0x3FB2]  }
0x3d: {  	_ =	shalt  }
0x3e: {  	_ =	shalt  }
0x3f: {  	_ =	shalt  }
0x40: {  	_ =	shalt  }
0x41: {  	_ =	shalt  }
0x42: {  	_ =	shalt  }
0x43: {  	_ =	shalt  }
0x44: {  	_ =	shalt  }
0x45: {  	_ =	shalt  }
0x46: {  	_ =	shalt  }
0x47: {  	_ =	shalt  }
0x48: {  	_ =	shalt  }
0x49: {  	_ =	shalt  }
0x4a: {  	_ =	shalt  }
0x4b: {  	_ =	shalt  }
0x4c: {  	_ =	shalt  }
0x4d: {  	_ =	shalt  }
0x4e: {  	_ =	shalt  }
0x4f: {  	_ =	shalt  }
0x50: {  	_ =	shalt  }
0x51: {  	_ =	shalt  }
0x52: {  	_ =	shalt  }
0x53: {  	_ =	shalt  }
0x54: {  	_ =	shalt  }
0x55: {  	_ =	shalt  }
0x56: {  	_ =	shalt  }
0x57: {  	_ =	shalt  }
0x58: {  	_ =	shalt  }
0x59: {  	_ =	shalt  }
0x5a: {  	_ =	shalt  }
0x5b: {  	_ =	shalt  }
0x5c: {  	_ =	shalt  }
0x5d: {  	_ =	shalt  }
0x5e: {  	_ =	shalt  }
0x5f: {  	_ =	shalt  }
0x60: {  	_ =	shalt  }
0x61: {  	_ =	shalt  }
0x62: {  	_ =	shalt  }
0x63: {  	_ =	shalt  }
0x64: {  	_ =	shalt  }
0x65: {  	_ =	shalt  }
0x66: {  	_ =	shalt  }
0x67: {  	_ =	shalt  }
0x68: {  	_ =	shalt  }
0x69: {  	_ =	shalt  }
0x6a: {  	_ =	shalt  }
0x6b: {  	_ =	shalt  }
0x6c: {  	_ =	shalt  }
0x6d: {  	_ =	shalt  }
0x6e: {  	_ =	shalt  }
0x6f: {  	_ =	shalt  }
0x70: {  	_ =	shalt  }
0x71: {  	_ =	shalt  }
0x72: {  	_ =	shalt  }
0x73: {  	_ =	shalt  }
0x74: {  	_ =	shalt  }
0x75: {  	_ =	shalt  }
0x76: {  	_ =	shalt  }
0x77: {  	_ =	shalt  }
0x78: {  	_ =	shalt  }
0x79: {  	_ =	shalt  }
0x7a: {  	_ =	shalt  }
0x7b: {  	_ =	shalt  }
0x7c: {  	_ =	shalt  }
0x7d: {  	_ =	shalt  }
0x7e: {  	_ =	shalt  }
0x7f: {  	_ =	shalt  }
0x80: {  	_ =	shalt  }
0x81: {  	_ =	shalt  }
0x82: {  	_ =	shalt  }
0x83: {  	_ =	shalt  }
0x84: {  	_ =	shalt  }
0x85: {  	_ =	shalt  }
0x86: {  	_ =	shalt  }
0x87: {  	_ =	shalt  }
.Lfunc_end0:
.L_simem_size_0:
called_computation_lowered:
.L_overlay_start_0:
0x88: {  	s2 =	sld [smem:$0x3FD9]  }
0x89: {  	s3 =	sld [smem:$0x3FFE];
	_ =	sdelay $0x1  }
0x8a: {  	s1 =	srdreg.scid  }
0x8b: {  	s0 =	sand.u32 $0x1, s1  }
0x8c: {  	s16 =	sshll.u32 s0, $0xA;
	s2 =	sadd.s32 s3, s2  }
0x8d: {  	s2 =	sadd.s32 s2, s16  }
0x8e: {  	[smem:$0x3FBE] =	sst s2  }
0x8f: {  	_ = 	snop  }
0x90: {  	(tm) =	ssettm $0x1  }
0x91: {  	s17 =	sld [smem:$0x3FFB];
	_ =	sdelay $0x3  }
0x92: {  	_ =	strace s17  }
0x93: {  	s2 =	sld [smem:$0x3FFC];
	_ =	sdelay $0x3  }
0x94: {  	_ =	strace s2  }
0x95: {  	s2 =	sld [smem:$0x3FFD];
	_ =	sdelay $0x3  }
0x96: {  	_ =	strace s2  }
0x97: {  	_ =	strace $0x8FFFFFFF  }
0x98: {  	s18 =	sld [smem:$0x3FDB];
	_ =	sdelay $0x1  }
0x99: {  	s19 =	simm.s32 $_scs_section_size  }
0x9a: {  	s4 =	simm.s32 $_size__tile_overlayer_lowered;
	s5 =	simm.s32 $_tile_overlayer_lowered  }
0x9b: {  	s22 =	simm.s32 $0x1BFF;
	s21 =	sshll.u32 s5, $0x1;
	s2 =	sadd.s32 s19, s18  }
0x9c: {  	s6 =	simm.s32 $0x0;
	s20 =	sshll.u32 s4, $0x1;
	s4 =	sadd.s32 s21, s2  }
0x9d: {  	[timem:s6], [sflag:s22] =	dma.local [hbm:s4], s20  }
0x9e: {  	_ =	swait.ge [sflag:s22], s20  }
0x9f: {  	s3 =	ssub.s32 $0x0, s20;
	[sflag:s22] =	ssyncset.done $0x0  }
0xa0: {  	[sflag:s22] =	ssyncadd.s32 s3;
	_ =	sdelay $0x1  }
0xa1: {  	s23 =	simm.s32 $0x1B8B  }
0xa2: {  	_ =	swait.ge [sflag:s23], $0x1  }
0xa3: {  	[sflag:s23] =	ssyncset.done $0x0  }
0xa4: {  	s25 =	simm.s32 $0x1B8E;
	s24 =	sld [smem:$0x3FFE];
	[sflag:s23] =	ssyncadd.s32 $0xFFFFFFFF  }
0xa5: {  	s26 =	simm.s32 $execute0_lowered;
	[smem:$0x3FD2] =	sst s25  }
0xa6: {  	s4 =	sshll.u32 s26, $0x1;
	_ =	strace $0x80000046;
	[dreg:$0x1] =	wrdreg $0xFFFFFFFF  }
0xa7: {  	s28 =	simm.s32 $_size_execute0_lowered;
	s2 =	sadd.s32 s2, s4;
	[dreg:$0x0] =	wrdreg $0x0  }
0xa8: {  	s4 =	sshll.u32 s28, $0x1;
	[dreg:$0x2] =	wrdreg s2  }
0xa9: {  	[dreg:$0x3] =	wrdreg s4  }
0xaa: {  	[dreg:$0x4] =	wrdreg $0xC0  }
0xab: {  	_ =	task [dreg:s6], $0x5FFFF  }
0xac: {  	[dreg:$0x1] =	wrdreg $0xFFFFFFFF  }
0xad: {  	[dreg:$0x0] =	wrdreg $0x60  }
0xae: {  	[dreg:$0x2] =	wrdreg s24  }
0xaf: {  	[dreg:$0x3] =	wrdreg $0x3C800  }
0xb0: {  	[dreg:$0x4] =	wrdreg $0x9  }
0xb1: {  	_ =	task.clear_ibuf [dreg:s6], $0x5FFFF;
	_ =	strace $0x90000046  }
0xb2: {  	s29 =	simm.s32 $0x9;
	_ =	strace $0x80000048  }
0xb3: {  	_ =	swait.ge [sflag:s29], $0x1  }
0xb4: {  	[sflag:s29] =	ssyncadd.s32 $0xFFFFFFFF  }
0xb5: {  	_ =	strace $0x90000048  }
0xb6: {  	_ =	sfence  }
0xb7: {  	s30 =	sld [smem:$0x0];
	_ =	sdelay $0x2  }
0xb8: {  	s31 =	sshll.u32 s1, $0xD;
	s1 =	sshrl.u32 s1, $0x2  }
0xb9: {  	s3 =	sand.u32 $0x4000, s31;
	s1 =	sadd.s32 s1, s30  }
0xba: {  	s0 =	sor.u32 s3, s0;
	s1 =	sshll.u32 s1, $0x11  }
0xbb: {  	s0 =	sor.u32 s1, s0  }
0xbc: {  	s0 =	sadd.s32 $0x8F2B, s0  }
0xbd: {  	[sflag:s0] =	ssyncadd.remote.s32 $0x1  }
0xbe: {  	_ =	sfence.sel $0xFFFF  }
0xbf: {  	[dreg:$0x0] =	wrdreg $0xFFFFFFFF;
	(pc) =	sbr.abs _section_cstart, $3  }
0xc0: {  	[dreg:$0x1] =	wrdreg $0xFFFFFFFF  }
0xc1: {  	_ =	task.clear_ibuf [dreg:s6], $0x2FFFF;
	_ =	strace $0x9FFFFFFF  }
0xc2: {  	(tm) =	ssettm $0x7FFFFFFF  }
0xc3: {  	_ =	shalt  }
tec
execute0_lowered:
.L_overlay_start_1:
0x0: {  	(tag) =	ssettag $0x1  }
0x1: {  	s1 =	srdreg.scid  }
0x2: {  	s0 =	stileid.u32;
	s5 =	rddreg [dreg:$0x0]  }
0x3: {  	s2 =	rddreg [dreg:$0x1];
	s3 =	simm.s32 $0x0;
	s16 =	simm.s32 $0x1  }
0x4: {  	s17 =	simm.s32 $0x2;
	s18 =	simm.s32 $0x0;
	s7 =	smul.u32 $0x1E848, s0  }
0x5: {  	s6 =	sand.u32 $0x1, s1;
	s1 =	rddreg [dreg:$0x2];
	s9 =	smul.u32 $0xD000, s0  }
0x6: {  	s29 =	sshll.u32 s0, $0x1;
	[smem:$0x7FF] =	sst s3;
	s11 =	smul.u32 $0xD00, s0  }
0x7: {  	p0 =	sgt.u32 s0, $0x7;
	s4 =	sor.u32 s6, s29;
	s13 =	smul.u32 $0x680, s6  }
0x8: {  	_ =	strace $0x80000047;
	s12 =	ssub.s32 $0x2, s6;
	s15 =	smul.u32 $0x6800, s6  }
0x9: {  	s4 =	smul.u32 $0x680, s4;
	s10 =	sshrl.u32 s7, $0x3;
	s9 =	sadd.s32 s9, s5  }
0xa: {  	s11 =	sadd.s32 s11, s5;
	s30 =	sshrl.u32 s12, $0x1;
	s14 =	sadd.s32 s7, s2  }
0xb: {  	s10 =	sadd.s32 s10, s5;
	s12 =	ssub.s32 s12, s30;
	s31 =	sadd.s32 s13, s11  }
0xc: {  	s9 =	sadd.s32 s15, s9;
	s11 =	sshrl.u32 @!p0 s14, $0x3;
	s13 =	simm.s32 $0x80  }
0xd: {  	s14 =	simm.s32 $0x3400;
	s15 =	simm.s32 $0x3C00;
	s8 =	sadd.s32 s4, s5  }
0xe: {  	s4 =	sadd.s32 $0xF43A00, s5;
	s5 =	sadd.s32 $0xE600, s10;
	s7 =	smax.u32 s12, $0x1  }
0xf: {  	s9 =	sadd.s32 $0x2D000, s9;
	s10 =	sshll.u32 @!p0 s0, $0x6;
	s12 =	simm.s32 $0x3  }
0x10: {  	s6 =	sadd.s32 $0x1600, s8;
	s8 =	sadd.s32 $0xFD000, s31;
	s10 =	sor.u32 @!p0 $0x1C03, s10  }
.LBB2_1:
0x11: {  	[spmem:s11], [sflag:s10] =	dma.local @!p0 [hbm:s5], $0x3D09  }
0x12: {  	s19 =	simm.s32 @!p0 $0x3  }
0x13: {  	_ =	swait.ge @!p0 [sflag:s19], $0x3D09  }
0x14: {  	[sflag:s19] =	ssyncset.done @!p0 $0x0  }
0x15: {  	[sflag:s19] =	ssyncadd.s32 @!p0 $0xFFFFC2F7  }
0x16: {  	[bflag:$0x0] =	sbarrier.arrive $0xFFFF  }
0x17: {  	[tilespmem:s3], [sflag:$0x3] =	stream.linear.gather [hbm4b:s6+s3], $0x3400, $0x38;
	[tilespmem:$0x130A8] =	vst v63  }
0x18: {  	_ =	swait.ge [sflag:s12], $0x3400  }
0x19: {  	[sflag:s12] =	ssyncset.done $0x0  }
0x1a: {  	[sflag:s12] =	ssyncadd.s32 $0xFFFFCC00  }
0x1b: {  	[tilespmem:s14], [sflag:$0x1] =	stream.indirect.gather [hbm4b:s4+s13], $0x10, s3, s13, $0xb8;
	[tilespmem:$0x130A8] =	vst v63  }
0x1c: {  	_ = 	snop  }
0x1d: {  	[tilespmem:s15], [sflag:$0x2] =	stream.indirect.gather [spmem:s2], $0x1, s3, s13, $0xb8;
	[tilespmem:$0x130A8] =	vst v63  }
0x1e: {  	_ =	swait.ge [sflag:s16], $0x800  }
0x1f: {  	[sflag:s16] =	ssyncset.done $0x0  }
0x20: {  	[sflag:s16] =	ssyncadd.s32 $0xFFFFF800  }
0x21: {  	_ =	swait.ge [sflag:s17], $0x80  }
0x22: {  	[sflag:s17] =	ssyncset.done $0x0  }
0x23: {  	[sflag:s17] =	ssyncadd.s32 $0xFFFFFF80  }
0x24: {  	[hbm4b:s9+s3] =	stream.linear.scatter [tilespmem:s14], [sflag:$0x3], $0x800, $0x38;
	[tilespmem:$0x130A8] =	vst v63  }
0x25: {  	_ =	swait.ge [sflag:s12], $0x800  }
0x26: {  	[sflag:s12] =	ssyncset.done $0x0  }
0x27: {  	s31 =	sadd.s32 $0x0, s8;
	[sflag:s12] =	ssyncadd.s32 $0xFFFFF800  }
0x28: {  	[hbm4b:s31+s3] =	stream.linear.scatter [tilespmem:s15], [sflag:$0x3], $0x80, $0x38;
	[tilespmem:$0x130A8] =	vst v63  }
0x29: {  	s20 =	simm.s32 $0x0;
	_ =	swait.ge [sflag:s12], $0x80  }
0x2a: {  	s21 =	smov.u32 s9;
	s19 =	simm.s32 $0x10;
	[sflag:s12] =	ssyncset.done $0x0  }
.LBB2_2:
0x2b: {  	[sflag:s12] =	ssyncadd.s32 $0xFFFFFF80;
	s20 =	sadd.s32 $0x80, s20;
	s21 =	sadd.s32 $0x100, s21  }
0x2c: {  	[tilespmem:s14], [sflag:$0x1] =	stream.indirect.gather [hbm4b:s4+s13], $0x10, s20, s13, $0xb8;
	[tilespmem:$0x130A8] =	vst v63  }
0x2d: {  	p1 =	sne.s32 s19, $0x670;
	s22 =	smov.u32 s19;
	s19 =	sadd.s32 $0x10, s19  }
0x2e: {  	[tilespmem:s15], [sflag:$0x2] =	stream.indirect.gather [spmem:s2], $0x1, s20, s13, $0xb8;
	[tilespmem:$0x130A8] =	vst v63  }
0x2f: {  	_ =	swait.ge [sflag:s16], $0x800  }
0x30: {  	[sflag:s16] =	ssyncset.done $0x0  }
0x31: {  	[sflag:s16] =	ssyncadd.s32 $0xFFFFF800  }
0x32: {  	_ =	swait.ge [sflag:s17], $0x80  }
0x33: {  	[sflag:s17] =	ssyncset.done $0x0  }
0x34: {  	[sflag:s17] =	ssyncadd.s32 $0xFFFFFF80  }
0x35: {  	[hbm4b:s21+s3] =	stream.linear.scatter [tilespmem:s14], [sflag:$0x3], $0x800, $0x38;
	[tilespmem:$0x130A8] =	vst v63  }
0x36: {  	_ =	swait.ge [sflag:s12], $0x800  }
.Ltmp0:
0x37: {  	[sflag:s12] =	ssyncset.done $0x0;
	(pc) =	sbr.rel @p1 .LBB2_2-.Ltmp0, $4  }
0x38: {  	s22 =	sadd.s32 s22, s8;
	[sflag:s12] =	ssyncadd.s32 $0xFFFFF800  }
0x39: {  	[hbm4b:s22+s3] =	stream.linear.scatter [tilespmem:s15], [sflag:$0x3], $0x80, $0x38;
	[tilespmem:$0x130A8] =	vst v63  }
0x3a: {  	_ =	swait.ge [sflag:s12], $0x80  }
0x3b: {  	[sflag:s12] =	ssyncset.done $0x0  }
0x3c: {  	s18 =	sadd.s32 $0x1, s18  }
0x3d: {  	p1 =	sne.s32 s18, s7  }
.Ltmp1:
0x3e: {  	_ = 	snop;
	(pc) =	sbr.rel @p1 .LBB2_1-.Ltmp1, $2  }
0x3f: {  	_ =	sdelay $0x2  }
0x40: {  	[sflag:s12] =	ssyncadd.s32 $0xFFFFFF80  }
0x41: {  	_ =	sfence.sel $0x180000  }
0x42: {  	[bflag:$0x0] =	sbarrier.arrive $0xFFFF  }
0x43: {  	p0 =	sne.s32 s0, $0x0;
	_ =	strace $0x90000047  }
0x44: {  	s0 =	sadd.s32 @!p0 $0x100000, s1;
	[bflag:$0x2] =	sbarrier.arrive $0xFFFF  }
0x45: {  	[sflag:s0] =	ssyncadd.tile.s32 @!p0 $0x1;
	_ =	shalt  }
.Lfunc_end2:
_tile_overlayer_lowered:
.L_overlay_start_2:
0x46: {  	(tag) =	ssettag $0x2  }
0x47: {  	s0 =	rddreg [dreg:$0x0];
	s2 =	stileid.u32  }
0x48: {  	s1 =	rddreg [dreg:$0x1];
	p0 =	sne.s32 s2, $0x0  }
0x49: {  	s3 =	rddreg [dreg:$0x2];
	[bflag:$0x3] =	sbarrier.arrive $0xFFFF;
	s2 =	simm.s32 @!p0 $0x1C03  }
0x4a: {  	[timem:s3], [sflag:s2] =	dma.local @!p0 [hbm:s0], s1  }
0x4b: {  	s0 =	simm.s32 @!p0 $0x3  }
0x4c: {  	_ =	swait.ge @!p0 [sflag:s0], s1  }
0x4d: {  	s1 =	ssub.s32 @!p0 $0x0, s1;
	[sflag:s0] =	ssyncset.done @!p0 $0x0  }
0x4e: {  	[sflag:s0] =	ssyncadd.s32 @!p0 s1  }
0x4f: {  	[bflag:$0x3] =	sbarrier.arrive $0xFFFF  }
0x50: {  	_ =	shalt  }

</sc_bundles>
